<compile_context>
chip_gen: v7x
topology: tpu7x:2x2x1
jax: 0.10.2.dev20260603
libtpu: 0.0.44.dev20260713+nightly
codegen_flags: <defaults>
</compile_context>

<pallas_src>
import functools

import jax
import jax.numpy as jnp
from jax import lax
from jax.experimental import pallas as pl
from jax.experimental.pallas import tpu as pltpu
from jax.experimental.pallas import tpu_sc as plsc

EMB = 64
CH = 3


def _sc_body(table_hbm, w_hbm, b_hbm, idx_hbm, out_hbm,
             t_s, w_s, b_s, idx_s, out_s, sem):
    c0 = pltpu.async_copy(idx_hbm, idx_s, sem)
    c1 = pltpu.async_copy(table_hbm, t_s, sem)
    c2 = pltpu.async_copy(w_hbm, w_s, sem)
    c3 = pltpu.async_copy(b_hbm, b_s, sem)
    c0.wait()
    c1.wait()
    c2.wait()
    c3.wait()

    i = idx_s[0]

    def step(d, acc):
        t = t_s[i, d]
        return (acc[0] + t * w_s[0, d],
                acc[1] + t * w_s[1, d],
                acc[2] + t * w_s[2, d])

    acc = lax.fori_loop(0, EMB, step, (b_s[0], b_s[1], b_s[2]))
    for c in range(CH):
        out_s[c] = acc[c]
    pltpu.sync_copy(out_s, out_hbm)


@jax.jit
def _run(table, W, b, idx):
    mesh = plsc.ScalarSubcoreMesh(axis_name="c", num_cores=1)
    f = functools.partial(
        pl.kernel,
        mesh=mesh,
        compiler_params=pltpu.CompilerParams(needs_layout_passes=False),
        out_type=jax.ShapeDtypeStruct((CH,), jnp.float32),
        scratch_types=[
            pltpu.SMEM((CH, EMB), jnp.float32),
            pltpu.SMEM((CH, EMB), jnp.float32),
            pltpu.SMEM((CH,), jnp.float32),
            pltpu.SMEM((1,), jnp.int32),
            pltpu.SMEM((CH,), jnp.float32),
            pltpu.SemaphoreType.DMA,
        ],
    )(_sc_body)
    return f(table, W, b, idx)


def kernel(table, W, b, idx):
    return _run(table, W, b, idx)

# --- scband reference (transcript-rebuilt; emitter-appended) ---
"""Pipeline reference for scband-layer-controller-15693810500288 (READ-ONLY COPY).

The authoritative reference and input builder live on the scoring server;
editing this copy changes nothing except your own understanding.
"""

import jax, jax.numpy as jnp
import numpy as np

NUM_CHANNELS = 3
EMBED_DIM = 64

def setup_inputs(seed: int = 0) -> dict:
    key = jax.random.key(seed)
    k1, k2, k3 = jax.random.split(key, 3)
    # learned parameters
    table = jax.random.normal(k1, (NUM_CHANNELS, EMBED_DIM), dtype=jnp.float32)  # nn.Embedding(3, 64)
    W = jax.random.normal(k2, (NUM_CHANNELS, EMBED_DIM), dtype=jnp.float32) * (1.0 / np.sqrt(EMBED_DIM))  # nn.Linear(64, 3).weight
    b = jax.random.normal(k3, (NUM_CHANNELS,), dtype=jnp.float32) * (1.0 / np.sqrt(EMBED_DIM))  # nn.Linear(64, 3).bias
    # forward() internally builds torch.zeros(1).long() as the lookup index
    idx = jnp.zeros((1,), dtype=jnp.int32)
    return {"table": table, "W": W, "b": b, "idx": idx}

def reference(table, W, b, idx):
    # inp = self.embedding(inp)  -> gather row(s) from table
    emb = jnp.take(table, idx, axis=0)  # [1, 64]
    # output_channel = self.linear_channel(inp)
    out = emb @ W.T + b  # [1, 3]
    # return output_channel.sum(0)
    return out.sum(axis=0)  # [3]

if __name__ == "__main__":
    import jax
    _d = setup_inputs()
    print(jax.jit(kernel)(*tuple(_d.values())))

</pallas_src>

<mosaic_0001>
#map = affine_map<(d0) -> (0, 0)>
#map1 = affine_map<(d0) -> (0)>
module attributes {stable_mosaic.version = 14 : i64} {
  func.func @_sc_body(%arg0: i32, %arg1: memref<3x64xf32, #tpu.memory_space<hbm>>, %arg2: memref<3x64xf32, #tpu.memory_space<hbm>>, %arg3: memref<3xf32, #tpu.memory_space<hbm>>, %arg4: memref<1xi32, #tpu.memory_space<hbm>>, %arg5: memref<3xf32, #tpu.memory_space<hbm>>, %arg6: memref<3x64xf32, #tpu.memory_space<smem>>, %arg7: memref<3x64xf32, #tpu.memory_space<smem>>, %arg8: memref<3xf32, #tpu.memory_space<smem>>, %arg9: memref<1xi32, #tpu.memory_space<smem>>, %arg10: memref<3xf32, #tpu.memory_space<smem>>, %arg11: memref<!tpu.dma_semaphore, #tpu.memory_space<semaphore_mem>>) attributes {dimension_semantics = [#tpu.dimension_semantics<core_parallel>], iteration_bounds = array<i64: 1>, scalar_prefetch = 0 : i64, scratch_operands = 6 : i64, tpu.core_type = #tpu.core_type<sc_scalar_subcore>, window_params = [{transform_indices = #map}, {transform_indices = #map}, {transform_indices = #map1}, {transform_indices = #map1}, {transform_indices = #map1}]} {
    tpu.enqueue_dma source(%arg4 : memref<1xi32, #tpu.memory_space<hbm>>) target(%arg9 : memref<1xi32, #tpu.memory_space<smem>>) target_semaphore(%arg11 : memref<!tpu.dma_semaphore, #tpu.memory_space<semaphore_mem>>)
    tpu.enqueue_dma source(%arg1 : memref<3x64xf32, #tpu.memory_space<hbm>>) target(%arg6 : memref<3x64xf32, #tpu.memory_space<smem>>) target_semaphore(%arg11 : memref<!tpu.dma_semaphore, #tpu.memory_space<semaphore_mem>>)
    tpu.enqueue_dma source(%arg2 : memref<3x64xf32, #tpu.memory_space<hbm>>) target(%arg7 : memref<3x64xf32, #tpu.memory_space<smem>>) target_semaphore(%arg11 : memref<!tpu.dma_semaphore, #tpu.memory_space<semaphore_mem>>)
    tpu.enqueue_dma source(%arg3 : memref<3xf32, #tpu.memory_space<hbm>>) target(%arg8 : memref<3xf32, #tpu.memory_space<smem>>) target_semaphore(%arg11 : memref<!tpu.dma_semaphore, #tpu.memory_space<semaphore_mem>>)
    tpu.wait_dma2 semaphore(%arg11 : memref<!tpu.dma_semaphore, #tpu.memory_space<semaphore_mem>>) src(%arg4 : memref<1xi32, #tpu.memory_space<hbm>>) dst(%arg9 : memref<1xi32, #tpu.memory_space<smem>>)
    tpu.wait_dma2 semaphore(%arg11 : memref<!tpu.dma_semaphore, #tpu.memory_space<semaphore_mem>>) src(%arg1 : memref<3x64xf32, #tpu.memory_space<hbm>>) dst(%arg6 : memref<3x64xf32, #tpu.memory_space<smem>>)
    tpu.wait_dma2 semaphore(%arg11 : memref<!tpu.dma_semaphore, #tpu.memory_space<semaphore_mem>>) src(%arg2 : memref<3x64xf32, #tpu.memory_space<hbm>>) dst(%arg7 : memref<3x64xf32, #tpu.memory_space<smem>>)
    tpu.wait_dma2 semaphore(%arg11 : memref<!tpu.dma_semaphore, #tpu.memory_space<semaphore_mem>>) src(%arg3 : memref<3xf32, #tpu.memory_space<hbm>>) dst(%arg8 : memref<3xf32, #tpu.memory_space<smem>>)
    %get3A = arith.constant 0 : i32
    %get3A_0 = arith.index_cast %get3A : i32 to index
    %get3A_1 = memref.load %arg9[%get3A_0] : memref<1xi32, #tpu.memory_space<smem>>
    %get3A_2 = arith.constant 0 : i32
    %get3A_3 = arith.index_cast %get3A_2 : i32 to index
    %get3A_4 = memref.load %arg8[%get3A_3] : memref<3xf32, #tpu.memory_space<smem>>
    %get3A_5 = arith.constant 1 : i32
    %get3A_6 = arith.index_cast %get3A_5 : i32 to index
    %get3A_7 = memref.load %arg8[%get3A_6] : memref<3xf32, #tpu.memory_space<smem>>
    %get3A_8 = arith.constant 2 : i32
    %get3A_9 = arith.index_cast %get3A_8 : i32 to index
    %get3A_10 = memref.load %arg8[%get3A_9] : memref<3xf32, #tpu.memory_space<smem>>
    %scan3A = arith.constant 0 : i32
    %scan3A_11 = arith.constant 64 : i32
    %scan3A_12 = arith.addi %scan3A, %scan3A_11 : i32
    %scan3A_13 = arith.constant 1 : i32
    %scan3A_14:3 = scf.for %scan3A_24 = %scan3A to %scan3A_12 step %scan3A_13 iter_args(%scan3A_25 = %get3A_4, %scan3A_26 = %get3A_7, %scan3A_27 = %get3A_10) -> (f32, f32, f32)  : i32 {
      %get3A_28 = arith.index_cast %get3A_1 : i32 to index
      %get3A_29 = arith.index_cast %scan3A_24 : i32 to index
      %get3A_30 = memref.load %arg6[%get3A_28, %get3A_29] : memref<3x64xf32, #tpu.memory_space<smem>>
      %get3A_31 = arith.constant 0 : i32
      %get3A_32 = arith.index_cast %get3A_31 : i32 to index
      %get3A_33 = arith.index_cast %scan3A_24 : i32 to index
      %get3A_34 = memref.load %arg7[%get3A_32, %get3A_33] : memref<3x64xf32, #tpu.memory_space<smem>>
      %mul3A = arith.mulf %get3A_30, %get3A_34 : f32
      %add3A = arith.addf %scan3A_25, %mul3A : f32
      %get3A_35 = arith.constant 1 : i32
      %get3A_36 = arith.index_cast %get3A_35 : i32 to index
      %get3A_37 = arith.index_cast %scan3A_24 : i32 to index
      %get3A_38 = memref.load %arg7[%get3A_36, %get3A_37] : memref<3x64xf32, #tpu.memory_space<smem>>
      %mul3A_39 = arith.mulf %get3A_30, %get3A_38 : f32
      %add3A_40 = arith.addf %scan3A_26, %mul3A_39 : f32
      %get3A_41 = arith.constant 2 : i32
      %get3A_42 = arith.index_cast %get3A_41 : i32 to index
      %get3A_43 = arith.index_cast %scan3A_24 : i32 to index
      %get3A_44 = memref.load %arg7[%get3A_42, %get3A_43] : memref<3x64xf32, #tpu.memory_space<smem>>
      %mul3A_45 = arith.mulf %get3A_30, %get3A_44 : f32
      %add3A_46 = arith.addf %scan3A_27, %mul3A_45 : f32
      scf.yield %add3A, %add3A_40, %add3A_46 : f32, f32, f32
    }
    %scan3A_15 = arith.constant 64 : i32
    %swap3A = arith.constant 0 : i32
    %swap3A_16 = arith.index_cast %swap3A : i32 to index
    %swap3A_17 = memref.load %arg10[%swap3A_16] : memref<3xf32, #tpu.memory_space<smem>>
    memref.store %scan3A_14#0, %arg10[%swap3A_16] : memref<3xf32, #tpu.memory_space<smem>>
    %swap3A_18 = arith.constant 1 : i32
    %swap3A_19 = arith.index_cast %swap3A_18 : i32 to index
    %swap3A_20 = memref.load %arg10[%swap3A_19] : memref<3xf32, #tpu.memory_space<smem>>
    memref.store %scan3A_14#1, %arg10[%swap3A_19] : memref<3xf32, #tpu.memory_space<smem>>
    %swap3A_21 = arith.constant 2 : i32
    %swap3A_22 = arith.index_cast %swap3A_21 : i32 to index
    %swap3A_23 = memref.load %arg10[%swap3A_22] : memref<3xf32, #tpu.memory_space<smem>>
    memref.store %scan3A_14#2, %arg10[%swap3A_22] : memref<3xf32, #tpu.memory_space<smem>>
    "tpu.region"() ({
      %run_scoped3A = tpu.sem_alloc : memref<!tpu.dma_semaphore, #tpu.memory_space<semaphore_mem>>
      tpu.enqueue_dma source(%arg10 : memref<3xf32, #tpu.memory_space<smem>>) target(%arg5 : memref<3xf32, #tpu.memory_space<hbm>>) target_semaphore(%run_scoped3A : memref<!tpu.dma_semaphore, #tpu.memory_space<semaphore_mem>>)
      tpu.wait_dma2 semaphore(%run_scoped3A : memref<!tpu.dma_semaphore, #tpu.memory_space<semaphore_mem>>) src(%arg10 : memref<3xf32, #tpu.memory_space<smem>>) dst(%arg5 : memref<3xf32, #tpu.memory_space<hbm>>)
      tpu.yield
    }) : () -> ()
    return
  }
}

</mosaic_0001>

<sc_bundles>
// kernel: _run.3.cloned.1.call-start
scs
__scs_entry_jumppad:
0x0: {  	(pc) =	sbr.rel $0x88, $3  }
0x1: {  	(tag) =	ssettag $0x0;
	lr =	simm.s32 $0x1  }
0x2: {  	[smem:$0x3F9D] =	sst lr;
	_ =	strace $0xD0000000  }
0x3: {  	_ = 	snop  }
0x4: {  	_ = 	snop  }
0x5: {  	_ = 	snop  }
0x6: {  	_ = 	snop  }
0x7: {  	_ = 	snop  }
__scs_overlays_trampoline_lowered:
0x8: {  	[smem:$0x3FAC] =	sst s0  }
0x9: {  	[smem:$0x3FAD] =	sst s1  }
0xa: {  	[smem:$0x3FAE] =	sst s2  }
0xb: {  	[smem:$0x3FAF] =	sst s3  }
0xc: {  	[smem:$0x3FB0] =	sst s4  }
0xd: {  	[smem:$0x3FB1] =	sst s5  }
0xe: {  	[smem:$0x3FB2] =	sst s6  }
0xf: {  	[smem:$0x3FB3] =	sst s7  }
0x10: {  	[smem:$0x3FB4] =	sst s8  }
0x11: {  	[smem:$0x3FB5] =	sst s9;
	s0 =	simm.s32 @!p0 $0x0  }
0x12: {  	s1 =	sld [smem:$0x3F9B];
	s0 =	simm.s32 @p0 $0x1  }
0x13: {  	[smem:$0x3FB6] =	sst s0;
	s0 =	simm.s32 @!p1 $0x0  }
0x14: {  	s2 =	sld [smem:$0x3F9A];
	s0 =	simm.s32 @p1 $0x1  }
0x15: {  	[smem:$0x3FB7] =	sst s0;
	s0 =	simm.s32 @!p2 $0x0  }
0x16: {  	s3 =	sld [smem:$0x3FDB];
	s0 =	simm.s32 @p2 $0x1  }
0x17: {  	s4 =	simm.s32 $0x1BF5;
	[smem:$0x3FB9] =	sst s0  }
0x18: {  	s0 =	sld [smem:$0x3F9C];
	_ =	swait.ge [sflag:s4], $0x0  }
0x19: {  	s7 =	sld [smem:$0x3F9D]  }
0x1a: {  	s8 =	sadd.s32 $0xFFFFE003, lr  }
0x1b: {  	s9 =	sadd.s32 $0xFFFFFEF7, lr;
	s5 =	simm.s32 $0xFFFFFFFF;
	p2 =	slt.u32 s8, $0xFFFFF086  }
0x1c: {  	p1 =	slt.u32 s9, $0xF7A;
	s5 =	simm.s32 @!p2 $0x0  }
0x1d: {  	s5 =	simm.s32 @p1 $0x1;
	p0 =	seq.s32 s7, s2  }
0x1e: {  	s7 =	smul.u32 @!p0 $0xF7A, s2;
	p2 =	seq.s32 @!p0 s5, $0x0  }
0x1f: {  	s9 =	smul.u32 $0xF7A, s1;
	s8 =	simm.s32 @!p0 $0x1BF5;
	p2 =	por !p2, p0  }
0x20: {  	[sflag:s8] =	ssyncset.s32 @!p0 $0xFFFFF086;
	s6 =	sadd.s32 @!p0 s3, s7;
	s7 =	simm.s32 @!p0 $0x108  }
0x21: {  	s3 =	sadd.s32 s3, s9;
	s6 =	sadd.s32 @!p0 $0x88, s6;
	s7 =	simm.s32 @p2 $0x1082  }
0x22: {  	[simem:s7], [sflag:s8] =	dma.local @!p0 [hbm:s6], $0xF7A  }
0x23: {  	s9 =	sor.u32 $0xD0000000, s2;
	s6 =	simm.s32 $0x108;
	_ =	swait.ge @!p0 [sflag:s8], $0x0  }
0x24: {  	s3 =	sadd.s32 $0x88, s3;
	s6 =	simm.s32 @!p1 $0x1082;
	[sflag:s4] =	ssyncset.s32 $0xFFFFF086  }
0x25: {  	[simem:s6], [sflag:s4] =	dma.local [hbm:s3], $0xF7A  }
0x26: {  	[smem:$0x3F9D] =	sst s1;
	(tag) =	ssettag s2;
	_ =	strace s9  }
0x27: {  	s1 =	sld [smem:$0x3FAD]  }
0x28: {  	s2 =	sld [smem:$0x3FAE]  }
0x29: {  	s4 =	sld [smem:$0x3FB0]  }
0x2a: {  	p0 =	seq.s32 s5, $0x0;
	s5 =	sld [smem:$0x3FB1]  }
0x2b: {  	s6 =	sld [smem:$0x3FB2]  }
0x2c: {  	s7 =	sld [smem:$0x3FB3]  }
0x2d: {  	s3 =	simm.s32 $0x108;
	s8 =	sld [smem:$0x3FB4]  }
0x2e: {  	s3 =	simm.s32 @!p0 $0x1082;
	s9 =	sld [smem:$0x3FB5]  }
0x2f: {  	lr =	sadd.s32 s0, s3;
	s0 =	sld [smem:$0x3FAC]  }
0x30: {  	s3 =	sld [smem:$0x3FAF]  }
0x31: {  	[smem:$0x3FB8] =	sst s10  }
0x32: {  	s10 =	sld [smem:$0x3FB6];
	_ =	sdelay $0x3  }
0x33: {  	p0 =	seq.s32 s10, $0x1;
	s10 =	sld [smem:$0x3FB8];
	_ =	sdelay $0x3  }
0x34: {  	[smem:$0x3FB8] =	sst s10  }
0x35: {  	s10 =	sld [smem:$0x3FB7];
	_ =	sdelay $0x3  }
0x36: {  	p1 =	seq.s32 s10, $0x1;
	s10 =	sld [smem:$0x3FB8];
	_ =	sdelay $0x3  }
0x37: {  	[smem:$0x3FB8] =	sst s10  }
0x38: {  	s10 =	sld [smem:$0x3FB9]  }
0x39: {  	_ = 	snop;
	(pc) =	sbr.ind lr, $3  }
0x3a: {  	_ = 	snop  }
0x3b: {  	_ = 	snop  }
0x3c: {  	p2 =	seq.s32 s10, $0x1;
	s10 =	sld [smem:$0x3FB8]  }
0x3d: {  	_ =	shalt  }
0x3e: {  	_ =	shalt  }
0x3f: {  	_ =	shalt  }
0x40: {  	_ =	shalt  }
0x41: {  	_ =	shalt  }
0x42: {  	_ =	shalt  }
0x43: {  	_ =	shalt  }
0x44: {  	_ =	shalt  }
0x45: {  	_ =	shalt  }
0x46: {  	_ =	shalt  }
0x47: {  	_ =	shalt  }
0x48: {  	_ =	shalt  }
0x49: {  	_ =	shalt  }
0x4a: {  	_ =	shalt  }
0x4b: {  	_ =	shalt  }
0x4c: {  	_ =	shalt  }
0x4d: {  	_ =	shalt  }
0x4e: {  	_ =	shalt  }
0x4f: {  	_ =	shalt  }
0x50: {  	_ =	shalt  }
0x51: {  	_ =	shalt  }
0x52: {  	_ =	shalt  }
0x53: {  	_ =	shalt  }
0x54: {  	_ =	shalt  }
0x55: {  	_ =	shalt  }
0x56: {  	_ =	shalt  }
0x57: {  	_ =	shalt  }
0x58: {  	_ =	shalt  }
0x59: {  	_ =	shalt  }
0x5a: {  	_ =	shalt  }
0x5b: {  	_ =	shalt  }
0x5c: {  	_ =	shalt  }
0x5d: {  	_ =	shalt  }
0x5e: {  	_ =	shalt  }
0x5f: {  	_ =	shalt  }
0x60: {  	_ =	shalt  }
0x61: {  	_ =	shalt  }
0x62: {  	_ =	shalt  }
0x63: {  	_ =	shalt  }
0x64: {  	_ =	shalt  }
0x65: {  	_ =	shalt  }
0x66: {  	_ =	shalt  }
0x67: {  	_ =	shalt  }
0x68: {  	_ =	shalt  }
0x69: {  	_ =	shalt  }
0x6a: {  	_ =	shalt  }
0x6b: {  	_ =	shalt  }
0x6c: {  	_ =	shalt  }
0x6d: {  	_ =	shalt  }
0x6e: {  	_ =	shalt  }
0x6f: {  	_ =	shalt  }
0x70: {  	_ =	shalt  }
0x71: {  	_ =	shalt  }
0x72: {  	_ =	shalt  }
0x73: {  	_ =	shalt  }
0x74: {  	_ =	shalt  }
0x75: {  	_ =	shalt  }
0x76: {  	_ =	shalt  }
0x77: {  	_ =	shalt  }
0x78: {  	_ =	shalt  }
0x79: {  	_ =	shalt  }
0x7a: {  	_ =	shalt  }
0x7b: {  	_ =	shalt  }
0x7c: {  	_ =	shalt  }
0x7d: {  	_ =	shalt  }
0x7e: {  	_ =	shalt  }
0x7f: {  	_ =	shalt  }
0x80: {  	_ =	shalt  }
0x81: {  	_ =	shalt  }
0x82: {  	_ =	shalt  }
0x83: {  	_ =	shalt  }
0x84: {  	_ =	shalt  }
0x85: {  	_ =	shalt  }
0x86: {  	_ =	shalt  }
0x87: {  	_ =	shalt  }
.Lfunc_end0:
.L_simem_size_0:
called_computation_lowered:
.L_overlay_start_0:
0x88: {  	s0 =	sld [smem:$0x3FD9]  }
0x89: {  	s1 =	sld [smem:$0x3FFE];
	_ =	sdelay $0x3  }
0x8a: {  	s0 =	sadd.s32 s1, s0  }
0x8b: {  	[smem:$0x3FC4] =	sst s0  }
0x8c: {  	_ = 	snop  }
0x8d: {  	s22 =	sld [smem:$0x3FC9]  }
0x8e: {  	s2 =	sld [smem:$0x3FC8]  }
0x8f: {  	s3 =	sld [smem:$0x3FC7]  }
0x90: {  	s4 =	sld [smem:$0x3FC6]  }
0x91: {  	s0 =	sld [smem:$0x3FD0];
	(tm) =	ssettm $0x1  }
0x92: {  	s5 =	sld [smem:$0x3FFB];
	_ =	sdelay $0x3  }
0x93: {  	_ =	strace s5  }
0x94: {  	s5 =	sld [smem:$0x3FFC];
	_ =	sdelay $0x3  }
0x95: {  	_ =	strace s5  }
0x96: {  	s5 =	sld [smem:$0x3FFD];
	_ =	sdelay $0x3  }
0x97: {  	_ =	strace s5  }
0x98: {  	s23 =	simm.s32 $0x1B8B;
	_ =	strace $0x8FFFFFFF  }
0x99: {  	_ =	swait.ge [sflag:s23], $0x1  }
0x9a: {  	[sflag:s23] =	ssyncset.done $0x0  }
0x9b: {  	s24 =	simm.s32 $0x1B8E;
	s25 =	simm.s32 $0x9;
	[sflag:s23] =	ssyncadd.s32 $0xFFFFFFFF  }
0x9c: {  	s6 =	simm.s32 $0x490;
	s26 =	simm.s32 $0x10;
	[smem:$0x3FD2] =	sst s24  }
0x9d: {  	s28 =	simm.s32 $0x210;
	s29 =	simm.s32 $0x410;
	_ =	strace $0x80000046  }
0x9e: {  	[smem:s6], [sflag:s25] =	dma.local [hbm:s4], $0x10  }
0x9f: {  	[smem:s26], [sflag:s25] =	dma.local [hbm:s22], $0x30  }
0xa0: {  	[smem:s28], [sflag:s25] =	dma.local [hbm:s2], $0x30  }
0xa1: {  	[smem:s29], [sflag:s25] =	dma.local [hbm:s3], $0x10  }
0xa2: {  	_ =	swait.ge [sflag:s25], $0x10  }
0xa3: {  	[sflag:s25] =	ssyncset.done $0x0  }
0xa4: {  	[sflag:s25] =	ssyncadd.s32 $0xFFFFFFF0;
	_ =	sdelay $0x2  }
0xa5: {  	_ =	swait.ge [sflag:s25], $0x30  }
0xa6: {  	[sflag:s25] =	ssyncset.done $0x0  }
0xa7: {  	[sflag:s25] =	ssyncadd.s32 $0xFFFFFFD0;
	_ =	sdelay $0x2  }
0xa8: {  	_ =	swait.ge [sflag:s25], $0x30  }
0xa9: {  	[sflag:s25] =	ssyncset.done $0x0  }
0xaa: {  	[sflag:s25] =	ssyncadd.s32 $0xFFFFFFD0;
	_ =	sdelay $0x2  }
0xab: {  	_ =	swait.ge [sflag:s25], $0x10  }
0xac: {  	[sflag:s25] =	ssyncset.done $0x0  }
0xad: {  	[sflag:s25] =	ssyncadd.s32 $0xFFFFFFF0  }
0xae: {  	s30 =	sld [smem:$0x490];
	_ =	sdelay $0x3  }
0xaf: {  	s2 =	sld [smem:$0x410];
	s1 =	sshll.u32 s30, $0x7  }
0xb0: {  	s3 =	sld [smem:$0x411];
	s1 =	sand.u32 $0x3FFFFF80, s1  }
0xb1: {  	s31 =	simm.s32 $0x0;
	s5 =	sld [smem:$0x412];
	s4 =	sor.u32 $0x10, s1  }
0xb2: {  	s9 =	sld [smem:s4+s31]  }
0xb3: {  	s7 =	sld [smem:$0x310]  }
0xb4: {  	s8 =	sld [smem:$0x210]  }
0xb5: {  	s11 =	sld [smem:$0x290];
	_ =	sdelay $0x1  }
0xb6: {  	s6 =	simm.s32 $0x1;
	s1 =	srdreg.scid;
	s12 =	smul.f32 s7, s9  }
0xb7: {  	s7 =	sld [smem:s4+s6];
	s10 =	smul.f32 s8, s9  }
0xb8: {  	s8 =	simm.s32 $0x8;
	s9 =	smul.f32 s11, s9;
	s5 =	sadd.f32 s12, s5  }
.LBB1_1:
0xb9: {  	p0 =	sne.s32 s8, $0xFC;
	s11 =	sld [smem:s6+$0x310]  }
0xba: {  	s12 =	sld [smem:s6+$0x210]  }
0xbb: {  	s13 =	sld [smem:s6+$0x290];
	s14 =	smov.u32 s7  }
.Ltmp0:
0xbc: {  	s2 =	sadd.f32 s10, s2;
	(pc) =	sbr.rel @p0 .LBB1_1-.Ltmp0, $3  }
0xbd: {  	s3 =	sadd.f32 s9, s3;
	s6 =	sshra.s32 s8, $0x2;
	s11 =	smul.f32 s11, s14  }
0xbe: {  	s7 =	sld [smem:s4+s6];
	s10 =	smul.f32 s12, s14  }
0xbf: {  	s8 =	sadd.s32 $0x4, s8;
	s9 =	smul.f32 s13, s14;
	s5 =	sadd.f32 s11, s5  }
0xc0: {  	s4 =	sld [smem:s6+$0x310]  }
0xc1: {  	s8 =	sld [smem:s6+$0x210]  }
0xc2: {  	s24 =	sld [smem:s6+$0x290];
	_ =	sdelay $0x1  }
0xc3: {  	s2 =	sadd.f32 s10, s2;
	s4 =	smul.f32 s4, s7  }
0xc4: {  	s3 =	sadd.f32 s9, s3;
	s8 =	smul.f32 s8, s7  }
0xc5: {  	s6 =	smul.f32 s24, s7;
	s4 =	sadd.f32 s4, s5  }
0xc6: {  	s2 =	sadd.f32 s8, s2  }
0xc7: {  	s3 =	sadd.f32 s6, s3  }
0xc8: {  	[smem:$0x510] =	sst s2  }
0xc9: {  	[smem:$0x511] =	sst s3  }
0xca: {  	s25 =	simm.s32 $0x510;
	s26 =	simm.s32 $0xA;
	[smem:$0x512] =	sst s4  }
0xcb: {  	[hbm:s0], [sflag:s26] =	dma.local [smem:s25], $0x10  }
0xcc: {  	_ =	swait.ge [sflag:s26], $0x10  }
0xcd: {  	[sflag:s26] =	ssyncset.done $0x0  }
0xce: {  	[sflag:s26] =	ssyncadd.s32 $0xFFFFFFF0  }
0xcf: {  	_ =	strace $0x90000046  }
0xd0: {  	_ =	sfence  }
0xd1: {  	s28 =	sld [smem:$0x0];
	_ =	sdelay $0x2  }
0xd2: {  	s29 =	sshll.u32 s1, $0xD;
	s30 =	sshrl.u32 s1, $0x2  }
0xd3: {  	s31 =	sand.u32 $0x1, s1;
	s2 =	sand.u32 $0x4000, s29;
	s0 =	sadd.s32 s30, s28  }
0xd4: {  	s1 =	sor.u32 s2, s31;
	s0 =	sshll.u32 s0, $0x11  }
0xd5: {  	s0 =	sor.u32 s0, s1  }
0xd6: {  	s0 =	sadd.s32 $0x8F2B, s0;
	(pc) =	sbr.abs _section_cstart, $3  }
0xd7: {  	[sflag:s0] =	ssyncadd.remote.s32 $0x1  }
0xd8: {  	_ =	strace $0x9FFFFFFF  }
0xd9: {  	(tm) =	ssettm $0x7FFFFFFF  }

</sc_bundles>
